<compile_context>
chip_gen: v7x
topology: tpu7x:2x2x1
jax: 0.10.2.dev20260603
libtpu: 0.0.44.dev20260713+nightly
codegen_flags: <defaults>
</compile_context>

<pallas_src>
import functools

import jax
import jax.numpy as jnp
from jax import lax
from jax.experimental import pallas as pl
from jax.experimental.pallas import tpu as pltpu
from jax.experimental.pallas import tpu_sc as plsc

_NC = 2
_NS = 16


def _sc_gather(emb_table, tok):
    n_tok = tok.shape[0]
    d = emb_table.shape[1]
    nw = _NC * _NS
    tpt = n_tok // nw

    mesh = plsc.VectorSubcoreMesh(core_axis_name="c", subcore_axis_name="s")

    @functools.partial(
        pl.kernel,
        out_type=jax.ShapeDtypeStruct((n_tok, d), jnp.float32),
        mesh=mesh,
        scratch_types=[
            pltpu.VMEM((tpt,), jnp.int32),
            pltpu.VMEM((tpt, d), jnp.float32),
            pltpu.SemaphoreType.DMA,
        ],
    )
    def gather(emb_hbm, tok_hbm, out_hbm, tok_v, rows_v, sem):
        wid = lax.axis_index("s") * _NC + lax.axis_index("c")
        base = wid * tpt
        pltpu.sync_copy(tok_hbm.at[pl.ds(base, tpt)], tok_v)
        pltpu.async_copy(emb_hbm.at[tok_v], rows_v, sem).wait()
        pltpu.sync_copy(rows_v, out_hbm.at[pl.ds(base, tpt)])

    return gather(emb_table, tok)


def _heads_body(idx_ref, emb_ref, w_ref, bc_ref, we_ref, be_ref,
                oc_ref, oe_ref, m_ref):
    i = pl.program_id(0)
    nb, s = idx_ref.shape

    @pl.when(i == 0)
    def _():
        for bb in range(nb):
            row = idx_ref[pl.ds(bb, 1), :]
            oh = (lax.broadcasted_iota(jnp.int32, (s, s), 0) == row
                  ).astype(jnp.float32)
            m_ref[pl.ds(bb * s, s), :] = lax.dot_general(
                oh, emb_ref[pl.ds(bb * s, s), :], (((1,), (0,)), ((), ())),
                preferred_element_type=jnp.float32)
        oe_ref[...] = lax.dot_general(
            m_ref[...], we_ref[...], (((1,), (1,)), ((), ())),
            preferred_element_type=jnp.float32) + be_ref[...]

    oc_ref[...] = lax.dot_general(
        m_ref[...], w_ref[...], (((1,), (1,)), ((), ())),
        preferred_element_type=jnp.float32) + bc_ref[...]


def _tc_heads(indexs, emb, w_cor, b_cor, w_err_pad, b_err_pad, vt=512):
    n, d = emb.shape
    nb = indexs.shape[0]
    vocab = w_cor.shape[0]
    ne = w_err_pad.shape[0]
    grid = (pl.cdiv(vocab, vt),)
    out_cor, out_err = pl.pallas_call(
        _heads_body,
        grid=grid,
        in_specs=[
            pl.BlockSpec(indexs.shape, lambda i: (0, 0)),
            pl.BlockSpec((n, d), lambda i: (0, 0)),
            pl.BlockSpec((vt, d), lambda i: (i, 0)),
            pl.BlockSpec((1, vt), lambda i: (0, i)),
            pl.BlockSpec((ne, d), lambda i: (0, 0)),
            pl.BlockSpec((1, ne), lambda i: (0, 0)),
        ],
        out_specs=[
            pl.BlockSpec((n, vt), lambda i: (0, i)),
            pl.BlockSpec((n, ne), lambda i: (0, 0)),
        ],
        out_shape=[
            jax.ShapeDtypeStruct((n, vocab), jnp.float32),
            jax.ShapeDtypeStruct((n, ne), jnp.float32),
        ],
        scratch_shapes=[pltpu.VMEM((n, d), jnp.float32)],
        compiler_params=pltpu.CompilerParams(
            dimension_semantics=("arbitrary",)),
    )(indexs, emb, w_cor, b_cor.reshape(1, vocab), w_err_pad,
      b_err_pad.reshape(1, ne))
    return out_cor, out_err


def kernel(inputs, indexs, emb_table, W_err, b_err, W_cor, b_cor):
    b, s = inputs.shape
    vocab, d = emb_table.shape
    n_err = W_err.shape[0]

    tok = inputs.reshape(-1).astype(jnp.int32)
    emb = _sc_gather(emb_table, tok)

    ne_pad = 128
    w_err_pad = jnp.zeros((ne_pad, d), jnp.float32).at[:n_err].set(W_err)
    b_err_pad = jnp.zeros((ne_pad,), jnp.float32).at[:n_err].set(b_err)

    out_cor, out_err = _tc_heads(indexs.astype(jnp.int32), emb, W_cor, b_cor,
                                 w_err_pad, b_err_pad)
    return (out_err[:, :n_err].reshape(b, s, n_err),
            out_cor.reshape(b, s, vocab))

# --- scband reference (transcript-rebuilt; emitter-appended) ---
"""Pipeline reference for scband-gecor-17420387353194 (READ-ONLY COPY).

The authoritative reference and input builder live on the scoring server;
editing this copy changes nothing except your own understanding.
"""

import jax, jax.numpy as jnp
import numpy as np

VOCAB = 32128
D = 768
N_ERR = 5
B, S = 4, 512

def setup_inputs(seed: int = 0) -> dict:
    key = jax.random.key(seed)
    ks = jax.random.split(key, 8)
    inputs = jax.random.randint(ks[0], (B, S), 0, VOCAB)
    indexs = jnp.sort(jax.random.randint(ks[1], (B, S), 0, S), axis=-1)
    emb_table = jax.random.normal(ks[2], (VOCAB, D), dtype=jnp.float32) * 0.02
    W_err = jax.random.normal(ks[3], (N_ERR, D), dtype=jnp.float32) * 0.02
    b_err = jnp.zeros((N_ERR,), dtype=jnp.float32)
    W_cor = jax.random.normal(ks[4], (VOCAB, D), dtype=jnp.float32) * 0.02
    b_cor = jnp.zeros((VOCAB,), dtype=jnp.float32)
    return {"inputs": inputs, "indexs": indexs, "emb_table": emb_table,
            "W_err": W_err, "b_err": b_err, "W_cor": W_cor, "b_cor": b_cor}

def reference(inputs, indexs, emb_table, W_err, b_err, W_cor, b_cor):
    # embedding lookup (gather)
    emb = jnp.take(emb_table, inputs, axis=0)  # [B, S, D]
    # segment_coo with reduce='sum' over the sequence dim, per batch row,
    # into a zeros_like(embeddings) output (out shape == [B, S, D])
    merged = jax.vmap(lambda e, i: jax.ops.segment_sum(e, i, num_segments=S))(emb, indexs)
    out_err = merged @ W_err.T + b_err  # [B, S, n_err]
    out_cor = merged @ W_cor.T + b_cor  # [B, S, n_subtokens*vocab]
    return (out_err, out_cor)

if __name__ == "__main__":
    import jax
    _d = setup_inputs()
    print(jax.jit(kernel)(*tuple(_d.values())))

</pallas_src>

<mosaic_0001>
#map = affine_map<(d0, d1) -> (0, 0)>
#map1 = affine_map<(d0, d1) -> (0)>
module attributes {stable_mosaic.version = 14 : i64} {
  func.func @gather(%arg0: i32, %arg1: i32, %arg2: memref<32128x768xf32, #tpu.memory_space<hbm>>, %arg3: memref<2048xi32, #tpu.memory_space<hbm>>, %arg4: memref<2048x768xf32, #tpu.memory_space<hbm>>, %arg5: memref<64xi32, #tpu.memory_space<vmem>>, %arg6: memref<64x768xf32, #tpu.memory_space<vmem>>, %arg7: memref<!tpu.dma_semaphore, #tpu.memory_space<semaphore_mem>>) attributes {dimension_semantics = [#tpu.dimension_semantics<core_parallel>, #tpu.dimension_semantics<subcore_parallel>], iteration_bounds = array<i64: 2, 16>, scalar_prefetch = 0 : i64, scratch_operands = 3 : i64, tpu.core_type = #tpu.core_type<sc_vector_subcore>, window_params = [{transform_indices = #map}, {transform_indices = #map1}, {transform_indices = #map}]} {
    %mul3A = arith.constant 2 : i32
    %mul3A_0 = arith.muli %arg1, %mul3A : i32
    %add3A = arith.addi %mul3A_0, %arg0 : i32
    %mul3A_1 = arith.constant 64 : i32
    %mul3A_2 = arith.muli %add3A, %mul3A_1 : i32
    "tpu.region"() ({
      %run_scoped3A = tpu.sem_alloc : memref<!tpu.dma_semaphore, #tpu.memory_space<semaphore_mem>>
      %dma_start3A_7 = tpu.memref_slice %arg3[%mul3A_2] : memref<2048xi32, #tpu.memory_space<hbm>> -> memref<64xi32, #tpu.memory_space<hbm>>
      %dma_start3A_8 = tpu.memref_slice %arg3[%mul3A_2] : memref<2048xi32, #tpu.memory_space<hbm>> -> memref<64xi32, #tpu.memory_space<hbm>>
      tpu.enqueue_dma source(%dma_start3A_8 : memref<64xi32, #tpu.memory_space<hbm>>) target(%arg5 : memref<64xi32, #tpu.memory_space<vmem>>) target_semaphore(%run_scoped3A : memref<!tpu.dma_semaphore, #tpu.memory_space<semaphore_mem>>)
      %dma_wait3A_9 = tpu.memref_slice %arg3[%mul3A_2] : memref<2048xi32, #tpu.memory_space<hbm>> -> memref<64xi32, #tpu.memory_space<hbm>>
      %dma_wait3A_10 = tpu.memref_slice %arg3[%mul3A_2] : memref<2048xi32, #tpu.memory_space<hbm>> -> memref<64xi32, #tpu.memory_space<hbm>>
      tpu.wait_dma2 semaphore(%run_scoped3A : memref<!tpu.dma_semaphore, #tpu.memory_space<semaphore_mem>>) src(%dma_wait3A_10 : memref<64xi32, #tpu.memory_space<hbm>>) dst(%arg5 : memref<64xi32, #tpu.memory_space<vmem>>)
      tpu.yield
    }) : () -> ()
    %dma_start3A = arith.constant 0 : i32
    %dma_start3A_3 = arith.constant 0 : i32
    %dma_start3A_4 = tpu.memref_slice %arg2[%dma_start3A, %dma_start3A_3] : memref<32128x768xf32, #tpu.memory_space<hbm>> -> memref<32128x768xf32, #tpu.memory_space<hbm>>
    tpu.enqueue_indirect_dma source(%dma_start3A_4 : memref<32128x768xf32, #tpu.memory_space<hbm>>) target(%arg6 : memref<64x768xf32, #tpu.memory_space<vmem>>) offsets(%arg5 : memref<64xi32, #tpu.memory_space<vmem>>) semaphore(%arg7 : memref<!tpu.dma_semaphore, #tpu.memory_space<semaphore_mem>>)
    %dma_wait3A = arith.constant 0 : i32
    %dma_wait3A_5 = arith.constant 0 : i32
    %dma_wait3A_6 = tpu.memref_slice %arg2[%dma_wait3A, %dma_wait3A_5] : memref<32128x768xf32, #tpu.memory_space<hbm>> -> memref<32128x768xf32, #tpu.memory_space<hbm>>
    tpu.wait_indirect_dma semaphore(%arg7 : memref<!tpu.dma_semaphore, #tpu.memory_space<semaphore_mem>>) src(%dma_wait3A_6 : memref<32128x768xf32, #tpu.memory_space<hbm>>) dst(%arg6 : memref<64x768xf32, #tpu.memory_space<vmem>>)
    "tpu.region"() ({
      %run_scoped3A = tpu.sem_alloc : memref<!tpu.dma_semaphore, #tpu.memory_space<semaphore_mem>>
      %dma_start3A_7 = arith.constant 0 : i32
      %dma_start3A_8 = tpu.memref_slice %arg4[%mul3A_2, %dma_start3A_7] : memref<2048x768xf32, #tpu.memory_space<hbm>> -> memref<64x768xf32, #tpu.memory_space<hbm>>
      %dma_start3A_9 = arith.constant 0 : i32
      %dma_start3A_10 = tpu.memref_slice %arg4[%mul3A_2, %dma_start3A_9] : memref<2048x768xf32, #tpu.memory_space<hbm>> -> memref<64x768xf32, #tpu.memory_space<hbm>>
      tpu.enqueue_dma source(%arg6 : memref<64x768xf32, #tpu.memory_space<vmem>>) target(%dma_start3A_10 : memref<64x768xf32, #tpu.memory_space<hbm>>) target_semaphore(%run_scoped3A : memref<!tpu.dma_semaphore, #tpu.memory_space<semaphore_mem>>)
      %dma_wait3A_11 = arith.constant 0 : i32
      %dma_wait3A_12 = tpu.memref_slice %arg4[%mul3A_2, %dma_wait3A_11] : memref<2048x768xf32, #tpu.memory_space<hbm>> -> memref<64x768xf32, #tpu.memory_space<hbm>>
      %dma_wait3A_13 = arith.constant 0 : i32
      %dma_wait3A_14 = tpu.memref_slice %arg4[%mul3A_2, %dma_wait3A_13] : memref<2048x768xf32, #tpu.memory_space<hbm>> -> memref<64x768xf32, #tpu.memory_space<hbm>>
      tpu.wait_dma2 semaphore(%run_scoped3A : memref<!tpu.dma_semaphore, #tpu.memory_space<semaphore_mem>>) src(%arg6 : memref<64x768xf32, #tpu.memory_space<vmem>>) dst(%dma_wait3A_14 : memref<64x768xf32, #tpu.memory_space<hbm>>)
      tpu.yield
    }) : () -> ()
    return
  }
}

module attributes {stable_mosaic.version = 14 : i64} {
  func.func @_heads_body(%arg0: i32, %arg1: memref<4x512xi32, #tpu.memory_space<vmem>>, %arg2: memref<2048x768xf32, #tpu.memory_space<vmem>>, %arg3: memref<512x768xf32, #tpu.memory_space<vmem>>, %arg4: memref<1x512xf32, #tpu.memory_space<vmem>>, %arg5: memref<128x768xf32, #tpu.memory_space<vmem>>, %arg6: memref<1x128xf32, #tpu.memory_space<vmem>>, %arg7: memref<2048x512xf32, #tpu.memory_space<vmem>>, %arg8: memref<2048x128xf32, #tpu.memory_space<vmem>>, %arg9: memref<2048x768xf32, #tpu.memory_space<vmem>>) attributes {dimension_semantics = [#tpu.dimension_semantics<arbitrary>], iteration_bounds = array<i64: 63>, scalar_prefetch = 0 : i64, scratch_operands = 1 : i64, tpu.core_type = #tpu.core_type<tc>, window_params = [{pipeline_mode = #tpu.pipeline_mode<synchronous>, transform_indices = @transform_0, window_bounds = array<i64: 4, 512>}, {pipeline_mode = #tpu.pipeline_mode<synchronous>, transform_indices = @transform_1, window_bounds = array<i64: 2048, 768>}, {transform_indices = @transform_2, window_bounds = array<i64: 512, 768>}, {transform_indices = @transform_3, window_bounds = array<i64: 1, 512>}, {pipeline_mode = #tpu.pipeline_mode<synchronous>, transform_indices = @transform_4, window_bounds = array<i64: 128, 768>}, {pipeline_mode = #tpu.pipeline_mode<synchronous>, transform_indices = @transform_5, window_bounds = array<i64: 1, 128>}, {transform_indices = @transform_6, window_bounds = array<i64: 2048, 512>}, {pipeline_mode = #tpu.pipeline_mode<synchronous>, transform_indices = @transform_7, window_bounds = array<i64: 2048, 128>}]} {
    %eq3A = arith.constant 0 : i32
    %eq3A_0 = arith.cmpi eq, %arg0, %eq3A : i32
    %convert_element_type3A = arith.extui %eq3A_0 : i1 to i32
    %cond3A = arith.constant 0 : i32
    %cond3A_1 = arith.cmpi ne, %convert_element_type3A, %cond3A : i32
    scf.if %cond3A_1 {
      %get3A_14 = arith.constant 0 : index
      %get3A_15 = arith.constant 0 : index
      %get3A_16 = vector.load %arg1[%get3A_14, %get3A_15] : memref<4x512xi32, #tpu.memory_space<vmem>>, vector<1x512xi32>
      %iota3A = tpu.iota {dimensions = array<i32: 0>} : vector<512x512xi32>
      %eq3A_17 = vector.broadcast %get3A_16 : vector<1x512xi32> to vector<512x512xi32>
      %eq3A_18 = arith.cmpi eq, %iota3A, %eq3A_17 : vector<512x512xi32>
      %convert_element_type3A_19 = arith.extui %eq3A_18 : vector<512x512xi1> to vector<512x512xi32>
      %convert_element_type3A_20 = arith.sitofp %convert_element_type3A_19 : vector<512x512xi32> to vector<512x512xf32>
      %get3A_21 = arith.constant 0 : index
      %get3A_22 = arith.constant 0 : index
      %get3A_23 = vector.load %arg2[%get3A_21, %get3A_22] : memref<2048x768xf32, #tpu.memory_space<vmem>>, vector<512x768xf32>
      %dot_general3A_24 = arith.constant dense<0.000000e+00> : vector<512x768xf32>
      %dot_general3A_25 = tpu.matmul %convert_element_type3A_20, %get3A_23, %dot_general3A_24 {dimension_numbers = #tpu.dot_dimension_numbers<[1], [0], [0], [1], [0, 0, 1, 1], [], []>, transpose_lhs_hint = false} : vector<512x512xf32>, vector<512x768xf32>, vector<512x768xf32> -> vector<512x768xf32>
      %swap3A_26 = arith.constant 0 : index
      %swap3A_27 = arith.constant 0 : index
      %swap3A_28 = vector.load %arg9[%swap3A_26, %swap3A_27] : memref<2048x768xf32, #tpu.memory_space<vmem>>, vector<512x768xf32>
      tpu.vector_store %arg9[%swap3A_26, %swap3A_27], %dot_general3A_25 {strides = array<i32>} : memref<2048x768xf32, #tpu.memory_space<vmem>>, vector<512x768xf32>,
      %get3A_29 = arith.constant 1 : index
      %get3A_30 = arith.constant 0 : index
      %get3A_31 = vector.load %arg1[%get3A_29, %get3A_30] : memref<4x512xi32, #tpu.memory_space<vmem>>, vector<1x512xi32>
      %iota3A_32 = tpu.iota {dimensions = array<i32: 0>} : vector<512x512xi32>
      %eq3A_33 = vector.broadcast %get3A_31 : vector<1x512xi32> to vector<512x512xi32>
      %eq3A_34 = arith.cmpi eq, %iota3A_32, %eq3A_33 : vector<512x512xi32>
      %convert_element_type3A_35 = arith.extui %eq3A_34 : vector<512x512xi1> to vector<512x512xi32>
      %convert_element_type3A_36 = arith.sitofp %convert_element_type3A_35 : vector<512x512xi32> to vector<512x512xf32>
      %get3A_37 = arith.constant 512 : index
      %get3A_38 = arith.constant 0 : index
      %get3A_39 = vector.load %arg2[%get3A_37, %get3A_38] : memref<2048x768xf32, #tpu.memory_space<vmem>>, vector<512x768xf32>
      %dot_general3A_40 = arith.constant dense<0.000000e+00> : vector<512x768xf32>
      %dot_general3A_41 = tpu.matmul %convert_element_type3A_36, %get3A_39, %dot_general3A_40 {dimension_numbers = #tpu.dot_dimension_numbers<[1], [0], [0], [1], [0, 0, 1, 1], [], []>, transpose_lhs_hint = false} : vector<512x512xf32>, vector<512x768xf32>, vector<512x768xf32> -> vector<512x768xf32>
      %swap3A_42 = arith.constant 512 : index
      %swap3A_43 = arith.constant 0 : index
      %swap3A_44 = vector.load %arg9[%swap3A_42, %swap3A_43] : memref<2048x768xf32, #tpu.memory_space<vmem>>, vector<512x768xf32>
      tpu.vector_store %arg9[%swap3A_42, %swap3A_43], %dot_general3A_41 {strides = array<i32>} : memref<2048x768xf32, #tpu.memory_space<vmem>>, vector<512x768xf32>,
      %get3A_45 = arith.constant 2 : index
      %get3A_46 = arith.constant 0 : index
      %get3A_47 = vector.load %arg1[%get3A_45, %get3A_46] : memref<4x512xi32, #tpu.memory_space<vmem>>, vector<1x512xi32>
      %iota3A_48 = tpu.iota {dimensions = array<i32: 0>} : vector<512x512xi32>
      %eq3A_49 = vector.broadcast %get3A_47 : vector<1x512xi32> to vector<512x512xi32>
      %eq3A_50 = arith.cmpi eq, %iota3A_48, %eq3A_49 : vector<512x512xi32>
      %convert_element_type3A_51 = arith.extui %eq3A_50 : vector<512x512xi1> to vector<512x512xi32>
      %convert_element_type3A_52 = arith.sitofp %convert_element_type3A_51 : vector<512x512xi32> to vector<512x512xf32>
      %get3A_53 = arith.constant 1024 : index
      %get3A_54 = arith.constant 0 : index
      %get3A_55 = vector.load %arg2[%get3A_53, %get3A_54] : memref<2048x768xf32, #tpu.memory_space<vmem>>, vector<512x768xf32>
      %dot_general3A_56 = arith.constant dense<0.000000e+00> : vector<512x768xf32>
      %dot_general3A_57 = tpu.matmul %convert_element_type3A_52, %get3A_55, %dot_general3A_56 {dimension_numbers = #tpu.dot_dimension_numbers<[1], [0], [0], [1], [0, 0, 1, 1], [], []>, transpose_lhs_hint = false} : vector<512x512xf32>, vector<512x768xf32>, vector<512x768xf32> -> vector<512x768xf32>
      %swap3A_58 = arith.constant 1024 : index
      %swap3A_59 = arith.constant 0 : index
      %swap3A_60 = vector.load %arg9[%swap3A_58, %swap3A_59] : memref<2048x768xf32, #tpu.memory_space<vmem>>, vector<512x768xf32>
      tpu.vector_store %arg9[%swap3A_58, %swap3A_59], %dot_general3A_57 {strides = array<i32>} : memref<2048x768xf32, #tpu.memory_space<vmem>>, vector<512x768xf32>,
      %get3A_61 = arith.constant 3 : index
      %get3A_62 = arith.constant 0 : index
      %get3A_63 = vector.load %arg1[%get3A_61, %get3A_62] : memref<4x512xi32, #tpu.memory_space<vmem>>, vector<1x512xi32>
      %iota3A_64 = tpu.iota {dimensions = array<i32: 0>} : vector<512x512xi32>
      %eq3A_65 = vector.broadcast %get3A_63 : vector<1x512xi32> to vector<512x512xi32>
      %eq3A_66 = arith.cmpi eq, %iota3A_64, %eq3A_65 : vector<512x512xi32>
      %convert_element_type3A_67 = arith.extui %eq3A_66 : vector<512x512xi1> to vector<512x512xi32>
      %convert_element_type3A_68 = arith.sitofp %convert_element_type3A_67 : vector<512x512xi32> to vector<512x512xf32>
      %get3A_69 = arith.constant 1536 : index
      %get3A_70 = arith.constant 0 : index
      %get3A_71 = vector.load %arg2[%get3A_69, %get3A_70] : memref<2048x768xf32, #tpu.memory_space<vmem>>, vector<512x768xf32>
      %dot_general3A_72 = arith.constant dense<0.000000e+00> : vector<512x768xf32>
      %dot_general3A_73 = tpu.matmul %convert_element_type3A_68, %get3A_71, %dot_general3A_72 {dimension_numbers = #tpu.dot_dimension_numbers<[1], [0], [0], [1], [0, 0, 1, 1], [], []>, transpose_lhs_hint = false} : vector<512x512xf32>, vector<512x768xf32>, vector<512x768xf32> -> vector<512x768xf32>
      %swap3A_74 = arith.constant 1536 : index
      %swap3A_75 = arith.constant 0 : index
      %swap3A_76 = vector.load %arg9[%swap3A_74, %swap3A_75] : memref<2048x768xf32, #tpu.memory_space<vmem>>, vector<512x768xf32>
      tpu.vector_store %arg9[%swap3A_74, %swap3A_75], %dot_general3A_73 {strides = array<i32>} : memref<2048x768xf32, #tpu.memory_space<vmem>>, vector<512x768xf32>,
      %get3A_77 = arith.constant 0 : index
      %get3A_78 = arith.constant 0 : index
      %get3A_79 = vector.load %arg9[%get3A_77, %get3A_78] : memref<2048x768xf32, #tpu.memory_space<vmem>>, vector<2048x768xf32>
      %get3A_80 = arith.constant 0 : index
      %get3A_81 = arith.constant 0 : index
      %get3A_82 = vector.load %arg5[%get3A_80, %get3A_81] : memref<128x768xf32, #tpu.memory_space<vmem>>, vector<128x768xf32>
      %dot_general3A_83 = arith.constant dense<0.000000e+00> : vector<2048x128xf32>
      %dot_general3A_84 = tpu.matmul %get3A_79, %get3A_82, %dot_general3A_83 {dimension_numbers = #tpu.dot_dimension_numbers<[1], [1], [0], [0], [0, 0, 1, 0], [], []>, transpose_lhs_hint = false} : vector<2048x768xf32>, vector<128x768xf32>, vector<2048x128xf32> -> vector<2048x128xf32>
      %get3A_85 = arith.constant 0 : index
      %get3A_86 = arith.constant 0 : index
      %get3A_87 = vector.load %arg6[%get3A_85, %get3A_86] : memref<1x128xf32, #tpu.memory_space<vmem>>, vector<1x128xf32>
      %add3A_88 = vector.broadcast %get3A_87 : vector<1x128xf32> to vector<2048x128xf32>
      %add3A_89 = arith.addf %dot_general3A_84, %add3A_88 : vector<2048x128xf32>
      %swap3A_90 = arith.constant 0 : index
      %swap3A_91 = arith.constant 0 : index
      %swap3A_92 = vector.load %arg8[%swap3A_90, %swap3A_91] : memref<2048x128xf32, #tpu.memory_space<vmem>>, vector<2048x128xf32>
      tpu.vector_store %arg8[%swap3A_90, %swap3A_91], %add3A_89 {strides = array<i32>} : memref<2048x128xf32, #tpu.memory_space<vmem>>, vector<2048x128xf32>,
    } else {
    }
    %get3A = arith.constant 0 : index
    %get3A_2 = arith.constant 0 : index
    %get3A_3 = vector.load %arg9[%get3A, %get3A_2] : memref<2048x768xf32, #tpu.memory_space<vmem>>, vector<2048x768xf32>
    %get3A_4 = arith.constant 0 : index
    %get3A_5 = arith.constant 0 : index
    %get3A_6 = vector.load %arg3[%get3A_4, %get3A_5] : memref<512x768xf32, #tpu.memory_space<vmem>>, vector<512x768xf32>
    %dot_general3A = arith.constant dense<0.000000e+00> : vector<2048x512xf32>
    %dot_general3A_7 = tpu.matmul %get3A_3, %get3A_6, %dot_general3A {dimension_numbers = #tpu.dot_dimension_numbers<[1], [1], [0], [0], [0, 0, 1, 0], [], []>, transpose_lhs_hint = false} : vector<2048x768xf32>, vector<512x768xf32>, vector<2048x512xf32> -> vector<2048x512xf32>
    %get3A_8 = arith.constant 0 : index
    %get3A_9 = arith.constant 0 : index
    %get3A_10 = vector.load %arg4[%get3A_8, %get3A_9] : memref<1x512xf32, #tpu.memory_space<vmem>>, vector<1x512xf32>
    %add3A = vector.broadcast %get3A_10 : vector<1x512xf32> to vector<2048x512xf32>
    %add3A_11 = arith.addf %dot_general3A_7, %add3A : vector<2048x512xf32>
    %swap3A = arith.constant 0 : index
    %swap3A_12 = arith.constant 0 : index
    %swap3A_13 = vector.load %arg7[%swap3A, %swap3A_12] : memref<2048x512xf32, #tpu.memory_space<vmem>>, vector<2048x512xf32>
    tpu.vector_store %arg7[%swap3A, %swap3A_12], %add3A_11 {strides = array<i32>} : memref<2048x512xf32, #tpu.memory_space<vmem>>, vector<2048x512xf32>,
    return
  }
  func.func @transform_0(%arg0: i32) -> (i32, i32) {
    %c0_i32 = arith.constant 0 : i32
    %c0_i32_0 = arith.constant 0 : i32
    %c0_i32_1 = arith.constant 0 : i32
    return %c0_i32, %c0_i32_0 : i32, i32
  }
  func.func @transform_1(%arg0: i32) -> (i32, i32) {
    %c0_i32 = arith.constant 0 : i32
    %c0_i32_0 = arith.constant 0 : i32
    %c0_i32_1 = arith.constant 0 : i32
    return %c0_i32, %c0_i32_0 : i32, i32
  }
  func.func @transform_2(%arg0: i32) -> (i32, i32) {
    %c0_i32 = arith.constant 0 : i32
    %c0_i32_0 = arith.constant 0 : i32
    return %arg0, %c0_i32 : i32, i32
  }
  func.func @transform_3(%arg0: i32) -> (i32, i32) {
    %c0_i32 = arith.constant 0 : i32
    %c0_i32_0 = arith.constant 0 : i32
    return %c0_i32, %arg0 : i32, i32
  }
  func.func @transform_4(%arg0: i32) -> (i32, i32) {
    %c0_i32 = arith.constant 0 : i32
    %c0_i32_0 = arith.constant 0 : i32
    %c0_i32_1 = arith.constant 0 : i32
    return %c0_i32, %c0_i32_0 : i32, i32
  }
  func.func @transform_5(%arg0: i32) -> (i32, i32) {
    %c0_i32 = arith.constant 0 : i32
    %c0_i32_0 = arith.constant 0 : i32
    %c0_i32_1 = arith.constant 0 : i32
    return %c0_i32, %c0_i32_0 : i32, i32
  }
  func.func @transform_6(%arg0: i32) -> (i32, i32) {
    %c0_i32 = arith.constant 0 : i32
    %c0_i32_0 = arith.constant 0 : i32
    return %c0_i32, %arg0 : i32, i32
  }
  func.func @transform_7(%arg0: i32) -> (i32, i32) {
    %c0_i32 = arith.constant 0 : i32
    %c0_i32_0 = arith.constant 0 : i32
    %c0_i32_1 = arith.constant 0 : i32
    return %c0_i32, %c0_i32_0 : i32, i32
  }
}

</mosaic_0001>

<sc_bundles>
// kernel: kernel.4.cloned.1.call-start
scs
__scs_entry_jumppad:
0x0: {  	(pc) =	sbr.rel $0x88, $3  }
0x1: {  	(tag) =	ssettag $0x0;
	lr =	simm.s32 $0x1  }
0x2: {  	[smem:$0x3F9A] =	sst lr;
	_ =	strace $0xD0000000  }
0x3: {  	_ = 	snop  }
0x4: {  	_ = 	snop  }
0x5: {  	_ = 	snop  }
0x6: {  	_ = 	snop  }
0x7: {  	_ = 	snop  }
__scs_overlays_trampoline_lowered:
0x8: {  	[smem:$0x3FA9] =	sst s0  }
0x9: {  	[smem:$0x3FAA] =	sst s1  }
0xa: {  	[smem:$0x3FAB] =	sst s2  }
0xb: {  	[smem:$0x3FAC] =	sst s3  }
0xc: {  	[smem:$0x3FAD] =	sst s4  }
0xd: {  	[smem:$0x3FAE] =	sst s5  }
0xe: {  	[smem:$0x3FAF] =	sst s6  }
0xf: {  	[smem:$0x3FB0] =	sst s7  }
0x10: {  	[smem:$0x3FB1] =	sst s8  }
0x11: {  	[smem:$0x3FB2] =	sst s9;
	s0 =	simm.s32 @!p0 $0x0  }
0x12: {  	s1 =	sld [smem:$0x3F98];
	s0 =	simm.s32 @p0 $0x1  }
0x13: {  	[smem:$0x3FB3] =	sst s0;
	s0 =	simm.s32 @!p1 $0x0  }
0x14: {  	s2 =	sld [smem:$0x3F97];
	s0 =	simm.s32 @p1 $0x1  }
0x15: {  	[smem:$0x3FB4] =	sst s0;
	s0 =	simm.s32 @!p2 $0x0  }
0x16: {  	s3 =	sld [smem:$0x3FDB];
	s0 =	simm.s32 @p2 $0x1  }
0x17: {  	s4 =	simm.s32 $0x1BF5;
	[smem:$0x3FB6] =	sst s0  }
0x18: {  	s0 =	sld [smem:$0x3F99];
	_ =	swait.ge [sflag:s4], $0x0  }
0x19: {  	s7 =	sld [smem:$0x3F9A]  }
0x1a: {  	s8 =	sadd.s32 $0xFFFFE003, lr  }
0x1b: {  	s9 =	sadd.s32 $0xFFFFFEF7, lr;
	s5 =	simm.s32 $0xFFFFFFFF;
	p2 =	slt.u32 s8, $0xFFFFF086  }
0x1c: {  	p1 =	slt.u32 s9, $0xF7A;
	s5 =	simm.s32 @!p2 $0x0  }
0x1d: {  	s5 =	simm.s32 @p1 $0x1;
	p0 =	seq.s32 s7, s2  }
0x1e: {  	s7 =	smul.u32 @!p0 $0xF7A, s2;
	p2 =	seq.s32 @!p0 s5, $0x0  }
0x1f: {  	s9 =	smul.u32 $0xF7A, s1;
	s8 =	simm.s32 @!p0 $0x1BF5;
	p2 =	por !p2, p0  }
0x20: {  	[sflag:s8] =	ssyncset.s32 @!p0 $0xFFFFF086;
	s6 =	sadd.s32 @!p0 s3, s7;
	s7 =	simm.s32 @!p0 $0x108  }
0x21: {  	s3 =	sadd.s32 s3, s9;
	s6 =	sadd.s32 @!p0 $0x88, s6;
	s7 =	simm.s32 @p2 $0x1082  }
0x22: {  	[simem:s7], [sflag:s8] =	dma.local @!p0 [hbm:s6], $0xF7A  }
0x23: {  	s9 =	sor.u32 $0xD0000000, s2;
	s6 =	simm.s32 $0x108;
	_ =	swait.ge @!p0 [sflag:s8], $0x0  }
0x24: {  	s3 =	sadd.s32 $0x88, s3;
	s6 =	simm.s32 @!p1 $0x1082;
	[sflag:s4] =	ssyncset.s32 $0xFFFFF086  }
0x25: {  	[simem:s6], [sflag:s4] =	dma.local [hbm:s3], $0xF7A  }
0x26: {  	[smem:$0x3F9A] =	sst s1;
	(tag) =	ssettag s2;
	_ =	strace s9  }
0x27: {  	s1 =	sld [smem:$0x3FAA]  }
0x28: {  	s2 =	sld [smem:$0x3FAB]  }
0x29: {  	s4 =	sld [smem:$0x3FAD]  }
0x2a: {  	p0 =	seq.s32 s5, $0x0;
	s5 =	sld [smem:$0x3FAE]  }
0x2b: {  	s6 =	sld [smem:$0x3FAF]  }
0x2c: {  	s7 =	sld [smem:$0x3FB0]  }
0x2d: {  	s3 =	simm.s32 $0x108;
	s8 =	sld [smem:$0x3FB1]  }
0x2e: {  	s3 =	simm.s32 @!p0 $0x1082;
	s9 =	sld [smem:$0x3FB2]  }
0x2f: {  	lr =	sadd.s32 s0, s3;
	s0 =	sld [smem:$0x3FA9]  }
0x30: {  	s3 =	sld [smem:$0x3FAC]  }
0x31: {  	[smem:$0x3FB5] =	sst s10  }
0x32: {  	s10 =	sld [smem:$0x3FB3];
	_ =	sdelay $0x3  }
0x33: {  	p0 =	seq.s32 s10, $0x1;
	s10 =	sld [smem:$0x3FB5];
	_ =	sdelay $0x3  }
0x34: {  	[smem:$0x3FB5] =	sst s10  }
0x35: {  	s10 =	sld [smem:$0x3FB4];
	_ =	sdelay $0x3  }
0x36: {  	p1 =	seq.s32 s10, $0x1;
	s10 =	sld [smem:$0x3FB5];
	_ =	sdelay $0x3  }
0x37: {  	[smem:$0x3FB5] =	sst s10  }
0x38: {  	s10 =	sld [smem:$0x3FB6]  }
0x39: {  	_ = 	snop;
	(pc) =	sbr.ind lr, $3  }
0x3a: {  	_ = 	snop  }
0x3b: {  	_ = 	snop  }
0x3c: {  	p2 =	seq.s32 s10, $0x1;
	s10 =	sld [smem:$0x3FB5]  }
0x3d: {  	_ =	shalt  }
0x3e: {  	_ =	shalt  }
0x3f: {  	_ =	shalt  }
0x40: {  	_ =	shalt  }
0x41: {  	_ =	shalt  }
0x42: {  	_ =	shalt  }
0x43: {  	_ =	shalt  }
0x44: {  	_ =	shalt  }
0x45: {  	_ =	shalt  }
0x46: {  	_ =	shalt  }
0x47: {  	_ =	shalt  }
0x48: {  	_ =	shalt  }
0x49: {  	_ =	shalt  }
0x4a: {  	_ =	shalt  }
0x4b: {  	_ =	shalt  }
0x4c: {  	_ =	shalt  }
0x4d: {  	_ =	shalt  }
0x4e: {  	_ =	shalt  }
0x4f: {  	_ =	shalt  }
0x50: {  	_ =	shalt  }
0x51: {  	_ =	shalt  }
0x52: {  	_ =	shalt  }
0x53: {  	_ =	shalt  }
0x54: {  	_ =	shalt  }
0x55: {  	_ =	shalt  }
0x56: {  	_ =	shalt  }
0x57: {  	_ =	shalt  }
0x58: {  	_ =	shalt  }
0x59: {  	_ =	shalt  }
0x5a: {  	_ =	shalt  }
0x5b: {  	_ =	shalt  }
0x5c: {  	_ =	shalt  }
0x5d: {  	_ =	shalt  }
0x5e: {  	_ =	shalt  }
0x5f: {  	_ =	shalt  }
0x60: {  	_ =	shalt  }
0x61: {  	_ =	shalt  }
0x62: {  	_ =	shalt  }
0x63: {  	_ =	shalt  }
0x64: {  	_ =	shalt  }
0x65: {  	_ =	shalt  }
0x66: {  	_ =	shalt  }
0x67: {  	_ =	shalt  }
0x68: {  	_ =	shalt  }
0x69: {  	_ =	shalt  }
0x6a: {  	_ =	shalt  }
0x6b: {  	_ =	shalt  }
0x6c: {  	_ =	shalt  }
0x6d: {  	_ =	shalt  }
0x6e: {  	_ =	shalt  }
0x6f: {  	_ =	shalt  }
0x70: {  	_ =	shalt  }
0x71: {  	_ =	shalt  }
0x72: {  	_ =	shalt  }
0x73: {  	_ =	shalt  }
0x74: {  	_ =	shalt  }
0x75: {  	_ =	shalt  }
0x76: {  	_ =	shalt  }
0x77: {  	_ =	shalt  }
0x78: {  	_ =	shalt  }
0x79: {  	_ =	shalt  }
0x7a: {  	_ =	shalt  }
0x7b: {  	_ =	shalt  }
0x7c: {  	_ =	shalt  }
0x7d: {  	_ =	shalt  }
0x7e: {  	_ =	shalt  }
0x7f: {  	_ =	shalt  }
0x80: {  	_ =	shalt  }
0x81: {  	_ =	shalt  }
0x82: {  	_ =	shalt  }
0x83: {  	_ =	shalt  }
0x84: {  	_ =	shalt  }
0x85: {  	_ =	shalt  }
0x86: {  	_ =	shalt  }
0x87: {  	_ =	shalt  }
.Lfunc_end0:
.L_simem_size_0:
called_computation_lowered:
.L_overlay_start_0:
0x88: {  	s2 =	sld [smem:$0x3FD9]  }
0x89: {  	s3 =	sld [smem:$0x3FFE];
	_ =	sdelay $0x1  }
0x8a: {  	s1 =	srdreg.scid  }
0x8b: {  	s0 =	sand.u32 $0x1, s1  }
0x8c: {  	s15 =	sshll.u32 s0, $0xA;
	s2 =	sadd.s32 s3, s2  }
0x8d: {  	s2 =	sadd.s32 s2, s15  }
0x8e: {  	[smem:$0x3FC1] =	sst s2  }
0x8f: {  	_ = 	snop  }
0x90: {  	s2 =	sld [smem:$0x3FD0];
	_ =	sdelay $0x2  }
0x91: {  	s4 =	simm.s32 $0xA;
	s5 =	simm.s32 $0x10;
	s16 =	sld [smem:$0x3FC7]  }
0x92: {  	[smem:s5], [sflag:s4] =	dma.local [hbm:s2], $0x1  }
0x93: {  	_ =	swait.eq [sflag:s4], $0x1  }
0x94: {  	[sflag:s4] =	ssyncset.done $0x0  }
0x95: {  	s17 =	sld [smem:$0x10];
	[sflag:s4] =	ssyncadd.s32 $0xFFFFFFFF  }
0x96: {  	s18 =	sld [smem:$0x11];
	(tm) =	ssettm $0x1  }
0x97: {  	s19 =	sld [smem:$0x3FFB];
	_ =	sdelay $0x3  }
0x98: {  	_ =	strace s19  }
0x99: {  	s5 =	sld [smem:$0x3FFC];
	_ =	sdelay $0x3  }
0x9a: {  	_ =	strace s5  }
0x9b: {  	s5 =	sld [smem:$0x3FFD];
	_ =	sdelay $0x3  }
0x9c: {  	_ =	strace s5  }
0x9d: {  	_ =	strace $0x8FFFFFFF  }
0x9e: {  	s20 =	sld [smem:$0x3FDB];
	_ =	sdelay $0x1  }
0x9f: {  	s6 =	simm.s32 $_scs_section_size  }
0xa0: {  	s7 =	simm.s32 $_size__tile_overlayer_lowered;
	s8 =	simm.s32 $_tile_overlayer_lowered  }
0xa1: {  	s23 =	simm.s32 $0x1BFF;
	s22 =	sshll.u32 s8, $0x1;
	s5 =	sadd.s32 s6, s20  }
0xa2: {  	s9 =	simm.s32 $0x0;
	s21 =	sshll.u32 s7, $0x1;
	s7 =	sadd.s32 s22, s5  }
0xa3: {  	[timem:s9], [sflag:s23] =	dma.local [hbm:s7], s21  }
0xa4: {  	_ =	swait.ge [sflag:s23], s21  }
0xa5: {  	s6 =	ssub.s32 $0x0, s21;
	[sflag:s23] =	ssyncset.done $0x0  }
0xa6: {  	[sflag:s23] =	ssyncadd.s32 s6;
	_ =	sdelay $0x1  }
0xa7: {  	s24 =	simm.s32 $0x1B8B  }
0xa8: {  	_ =	swait.ge [sflag:s24], $0x1  }
0xa9: {  	[sflag:s24] =	ssyncset.done $0x0  }
0xaa: {  	s25 =	simm.s32 $0x1B8E;
	[sflag:s24] =	ssyncadd.s32 $0xFFFFFFFF  }
0xab: {  	s26 =	simm.s32 $execute0_lowered;
	[smem:$0x3FD2] =	sst s25  }
0xac: {  	s6 =	sshll.u32 s26, $0x1;
	_ =	strace $0x80000046;
	[dreg:$0x1] =	wrdreg $0xFFFFFFFF  }
0xad: {  	s28 =	simm.s32 $_size_execute0_lowered;
	s5 =	sadd.s32 s5, s6;
	[dreg:$0x0] =	wrdreg $0x0  }
0xae: {  	s6 =	sshll.u32 s28, $0x1;
	[dreg:$0x2] =	wrdreg s5  }
0xaf: {  	[dreg:$0x3] =	wrdreg s6  }
0xb0: {  	[dreg:$0x4] =	wrdreg $0xC0  }
0xb1: {  	_ =	task [dreg:s9], $0x5FFFF  }
0xb2: {  	[dreg:$0x1] =	wrdreg $0xFFFFFFFF  }
0xb3: {  	[dreg:$0x0] =	wrdreg $0x60  }
0xb4: {  	[dreg:$0x2] =	wrdreg s16  }
0xb5: {  	[dreg:$0x3] =	wrdreg s17  }
0xb6: {  	[dreg:$0x4] =	wrdreg s18  }
0xb7: {  	[dreg:$0x5] =	wrdreg $0x9  }
0xb8: {  	_ =	task.clear_ibuf [dreg:s9], $0x6FFFF;
	_ =	strace $0x90000046  }
0xb9: {  	s29 =	simm.s32 $0x9;
	_ =	strace $0x80000048  }
0xba: {  	_ =	swait.ge [sflag:s29], $0x1  }
0xbb: {  	[sflag:s29] =	ssyncadd.s32 $0xFFFFFFFF  }
0xbc: {  	_ =	strace $0x90000048  }
0xbd: {  	_ =	sfence  }
0xbe: {  	s30 =	sld [smem:$0x0];
	_ =	sdelay $0x2  }
0xbf: {  	s31 =	sshll.u32 s1, $0xD;
	s1 =	sshrl.u32 s1, $0x2  }
0xc0: {  	s3 =	sand.u32 $0x4000, s31;
	s1 =	sadd.s32 s1, s30  }
0xc1: {  	s0 =	sor.u32 s3, s0;
	s1 =	sshll.u32 s1, $0x11  }
0xc2: {  	s0 =	sor.u32 s1, s0  }
0xc3: {  	s0 =	sadd.s32 $0x8F2B, s0  }
0xc4: {  	[sflag:s0] =	ssyncadd.remote.s32 $0x1  }
0xc5: {  	_ =	sfence.sel $0xFFFF  }
0xc6: {  	[dreg:$0x0] =	wrdreg $0xFFFFFFFF;
	(pc) =	sbr.abs _section_cstart, $3  }
0xc7: {  	[dreg:$0x1] =	wrdreg $0xFFFFFFFF  }
0xc8: {  	_ =	task.clear_ibuf [dreg:s9], $0x2FFFF;
	_ =	strace $0x9FFFFFFF  }
0xc9: {  	(tm) =	ssettm $0x7FFFFFFF  }
tec
execute0_lowered:
.L_overlay_start_1:
0x0: {  	(tag) =	ssettag $0x1  }
0x1: {  	s2 =	rddreg [dreg:$0x0]  }
0x2: {  	s0 =	rddreg [dreg:$0x1];
	s3 =	srdreg.scid  }
0x3: {  	s5 =	rddreg [dreg:$0x2];
	s1 =	stileid.u32  }
0x4: {  	s26 =	simm.s32 $0x880;
	s9 =	simm.s32 $0x1080;
	s10 =	simm.s32 $0x1880  }
0x5: {  	s11 =	simm.s32 $0x2080;
	s12 =	simm.s32 $0x2880;
	s13 =	simm.s32 $0x3080  }
0x6: {  	s14 =	simm.s32 $0x3880;
	s15 =	simm.s32 $0x4080;
	s16 =	simm.s32 $0x4880  }
0x7: {  	s17 =	simm.s32 $0x5080;
	s18 =	simm.s32 $0x5880;
	s19 =	simm.s32 $0x6080  }
0x8: {  	s20 =	simm.s32 $0x6880;
	s21 =	simm.s32 $0x7080;
	s22 =	simm.s32 $0x7880  }
0x9: {  	s23 =	simm.s32 $0x8080;
	s28 =	simm.s32 $0xA080;
	s29 =	simm.s32 $0xA880  }
0xa: {  	s30 =	simm.s32 $0xB080;
	s31 =	simm.s32 $0xB880;
	s4 =	sand.u32 $0x1, s3  }
0xb: {  	s6 =	sshll.u32 s1, $0x4;
	s3 =	simm.s32 $0x0;
	s7 =	sshll.u32 s4, $0x3  }
0xc: {  	s4 =	ssub.s32 $0x2, s4;
	[smem:$0x7FF] =	sst s3;
	s6 =	sor.u32 s7, s6  }
0xd: {  	s24 =	sshrl.u32 s4, $0x1;
	_ =	strace $0x80000047;
	[dreg:$0x6] =	wrdreg s26  }
0xe: {  	s26 =	simm.s32 $0x9880;
	s8 =	smul.u32 $0x300, s6;
	s7 =	ssub.s32 s4, s24  }
0xf: {  	s0 =	sadd.s32 s0, s6;
	s4 =	sadd.s32 $0x100, s2;
	s24 =	simm.s32 $0x8880  }
0x10: {  	v2 =	vlaneseq.u32;
	[dreg:$0x4] =	wrdreg s0;
	s6 =	smax.u32 s7, $0x1;
	s7 =	simm.s32 $0x2  }
0x11: {  	vm0 =	vmmov $0xffff;
	v1 =	vshrl.u32 v2, $0x3;
	s0 =	simm.s32 $0x1;
	s25 =	sadd.s32 s5, s8;
	s5 =	sadd.s32 $0x200, s2  }
0x12: {  	v0 =	vand.u32 $0x7, v2;
	v2 =	vor.u32 $0x8, v2;
	v1 =	vmul.u32 $0x8, v1;
	s8 =	simm.s32 $0x80;
	[dreg:$0x5] =	wrdreg s25;
	s25 =	simm.s32 $0x9080  }
.LBB2_1:
0x13: {  	s1 =	rddreg [dreg:$0x4]  }
0x14: {  	[tilespmem:s3], [sflag:$0x2] =	stream.linear.gather [hbm4b:s1+s3], $0x40, $0x38;
	[tilespmem:$0xC080] =	vst v63  }
0x15: {  	_ =	swait.ge [sflag:s7], $0x40  }
0x16: {  	[sflag:s7] =	ssyncset.done $0x0  }
0x17: {  	[sflag:s7] =	ssyncadd.s32 $0xFFFFFFC0  }
0x18: {  	v3 =	vld [tilespmem:$0x0];
	_ =	sdelay $0x4  }
0x19: {  	v4 =	vshrl.u32 v3, $0x3  }
0x1a: {  	v4 =	vmul.u32 $0x30, v4  }
0x1b: {  	v3 =	vand.u32 $0x7, v3  }
0x1c: {  	v3 =	vor.u32 v3, v4  }
0x1d: {  	v4 =	vperm.xlane v3, v0;
	_ =	sdelay $0x1  }
0x1e: {  	v4 =	vadd.s32 v1, v4;
	_ =	sdelay $0x3  }
0x1f: {  	v3 =	vperm.xlane v3, v2  }
0x20: {  	[tilespmem:s8], [sflag:$0x1] =	stream.indirect_vreg.gather [hbm4b:s2+s3], $0x80, v4, vm0, $0xb8;
	[tilespmem:$0xC080] =	vst v63  }
0x21: {  	s1 =	rddreg [dreg:$0x6];
	v3 =	vadd.s32 v1, v3  }
0x22: {  	[tilespmem:s1], [sflag:$0x1] =	stream.indirect_vreg.gather [hbm4b:s4+s3], $0x80, v4, vm0, $0xb8;
	[tilespmem:$0xC080] =	vst v63  }
0x23: {  	_ = 	snop  }
0x24: {  	[tilespmem:s9], [sflag:$0x1] =	stream.indirect_vreg.gather [hbm4b:s5+s3], $0x80, v4, vm0, $0xb8;
	[tilespmem:$0xC080] =	vst v63  }
0x25: {  	_ = 	snop  }
0x26: {  	[tilespmem:s10], [sflag:$0x1] =	stream.indirect_vreg.gather [hbm4b:s2+s3], $0x80, v3, vm0, $0xb8;
	[tilespmem:$0xC080] =	vst v63  }
0x27: {  	_ = 	snop  }
0x28: {  	[tilespmem:s11], [sflag:$0x1] =	stream.indirect_vreg.gather [hbm4b:s4+s3], $0x80, v3, vm0, $0xb8;
	[tilespmem:$0xC080] =	vst v63  }
0x29: {  	_ = 	snop  }
0x2a: {  	[tilespmem:s12], [sflag:$0x1] =	stream.indirect_vreg.gather [hbm4b:s5+s3], $0x80, v3, vm0, $0xb8;
	[tilespmem:$0xC080] =	vst v63  }
0x2b: {  	v3 =	vld [tilespmem:$0x10];
	_ =	sdelay $0x4  }
0x2c: {  	v61 =	vshrl.u32 v3, $0x3  }
0x2d: {  	v4 =	vmul.u32 $0x30, v61  }
0x2e: {  	v3 =	vand.u32 $0x7, v3  }
0x2f: {  	v3 =	vor.u32 v3, v4  }
0x30: {  	v4 =	vperm.xlane v3, v0;
	_ =	sdelay $0x1  }
0x31: {  	v4 =	vadd.s32 v1, v4;
	_ =	sdelay $0x3  }
0x32: {  	v3 =	vperm.xlane v3, v2  }
0x33: {  	[tilespmem:s13], [sflag:$0x1] =	stream.indirect_vreg.gather [hbm4b:s2+s3], $0x80, v4, vm0, $0xb8;
	[tilespmem:$0xC080] =	vst v63  }
0x34: {  	v3 =	vadd.s32 v1, v3  }
0x35: {  	[tilespmem:s14], [sflag:$0x1] =	stream.indirect_vreg.gather [hbm4b:s4+s3], $0x80, v4, vm0, $0xb8;
	[tilespmem:$0xC080] =	vst v63  }
0x36: {  	_ = 	snop  }
0x37: {  	[tilespmem:s15], [sflag:$0x1] =	stream.indirect_vreg.gather [hbm4b:s5+s3], $0x80, v4, vm0, $0xb8;
	[tilespmem:$0xC080] =	vst v63  }
0x38: {  	_ = 	snop  }
0x39: {  	[tilespmem:s16], [sflag:$0x1] =	stream.indirect_vreg.gather [hbm4b:s2+s3], $0x80, v3, vm0, $0xb8;
	[tilespmem:$0xC080] =	vst v63  }
0x3a: {  	_ = 	snop  }
0x3b: {  	[tilespmem:s17], [sflag:$0x1] =	stream.indirect_vreg.gather [hbm4b:s4+s3], $0x80, v3, vm0, $0xb8;
	[tilespmem:$0xC080] =	vst v63  }
0x3c: {  	_ = 	snop  }
0x3d: {  	[tilespmem:s18], [sflag:$0x1] =	stream.indirect_vreg.gather [hbm4b:s5+s3], $0x80, v3, vm0, $0xb8;
	[tilespmem:$0xC080] =	vst v63  }
0x3e: {  	v3 =	vld [tilespmem:$0x20];
	_ =	sdelay $0x4  }
0x3f: {  	v62 =	vshrl.u32 v3, $0x3  }
0x40: {  	v4 =	vmul.u32 $0x30, v62  }
0x41: {  	v3 =	vand.u32 $0x7, v3  }
0x42: {  	v3 =	vor.u32 v3, v4  }
0x43: {  	v4 =	vperm.xlane v3, v0;
	_ =	sdelay $0x1  }
0x44: {  	v4 =	vadd.s32 v1, v4;
	_ =	sdelay $0x3  }
0x45: {  	v3 =	vperm.xlane v3, v2  }
0x46: {  	[tilespmem:s19], [sflag:$0x1] =	stream.indirect_vreg.gather [hbm4b:s2+s3], $0x80, v4, vm0, $0xb8;
	[tilespmem:$0xC080] =	vst v63  }
0x47: {  	v3 =	vadd.s32 v1, v3  }
0x48: {  	[tilespmem:s20], [sflag:$0x1] =	stream.indirect_vreg.gather [hbm4b:s4+s3], $0x80, v4, vm0, $0xb8;
	[tilespmem:$0xC080] =	vst v63  }
0x49: {  	_ = 	snop  }
0x4a: {  	[tilespmem:s21], [sflag:$0x1] =	stream.indirect_vreg.gather [hbm4b:s5+s3], $0x80, v4, vm0, $0xb8;
	[tilespmem:$0xC080] =	vst v63  }
0x4b: {  	_ = 	snop  }
0x4c: {  	[tilespmem:s22], [sflag:$0x1] =	stream.indirect_vreg.gather [hbm4b:s2+s3], $0x80, v3, vm0, $0xb8;
	[tilespmem:$0xC080] =	vst v63  }
0x4d: {  	_ = 	snop  }
0x4e: {  	[tilespmem:s23], [sflag:$0x1] =	stream.indirect_vreg.gather [hbm4b:s4+s3], $0x80, v3, vm0, $0xb8;
	[tilespmem:$0xC080] =	vst v63  }
0x4f: {  	_ = 	snop  }
0x50: {  	[tilespmem:s24], [sflag:$0x1] =	stream.indirect_vreg.gather [hbm4b:s5+s3], $0x80, v3, vm0, $0xb8;
	[tilespmem:$0xC080] =	vst v63  }
0x51: {  	v3 =	vld [tilespmem:$0x30];
	_ =	sdelay $0x4  }
0x52: {  	v63 =	vshrl.u32 v3, $0x3  }
0x53: {  	v4 =	vmul.u32 $0x30, v63  }
0x54: {  	v3 =	vand.u32 $0x7, v3  }
0x55: {  	v3 =	vor.u32 v3, v4  }
0x56: {  	v4 =	vperm.xlane v3, v0;
	_ =	sdelay $0x1  }
0x57: {  	v4 =	vadd.s32 v1, v4;
	_ =	sdelay $0x3  }
0x58: {  	v3 =	vperm.xlane v3, v2  }
0x59: {  	[tilespmem:s25], [sflag:$0x1] =	stream.indirect_vreg.gather [hbm4b:s2+s3], $0x80, v4, vm0, $0xb8;
	[tilespmem:$0xC080] =	vst v63  }
0x5a: {  	v3 =	vadd.s32 v1, v3  }
0x5b: {  	[tilespmem:s26], [sflag:$0x1] =	stream.indirect_vreg.gather [hbm4b:s4+s3], $0x80, v4, vm0, $0xb8;
	[tilespmem:$0xC080] =	vst v63  }
0x5c: {  	_ = 	snop  }
0x5d: {  	[tilespmem:s28], [sflag:$0x1] =	stream.indirect_vreg.gather [hbm4b:s5+s3], $0x80, v4, vm0, $0xb8;
	[tilespmem:$0xC080] =	vst v63  }
0x5e: {  	_ = 	snop  }
0x5f: {  	[tilespmem:s29], [sflag:$0x1] =	stream.indirect_vreg.gather [hbm4b:s2+s3], $0x80, v3, vm0, $0xb8;
	[tilespmem:$0xC080] =	vst v63  }
0x60: {  	_ = 	snop  }
0x61: {  	[tilespmem:s30], [sflag:$0x1] =	stream.indirect_vreg.gather [hbm4b:s4+s3], $0x80, v3, vm0, $0xb8;
	[tilespmem:$0xC080] =	vst v63  }
0x62: {  	_ = 	snop  }
0x63: {  	[tilespmem:s31], [sflag:$0x1] =	stream.indirect_vreg.gather [hbm4b:s5+s3], $0x80, v3, vm0, $0xb8;
	[tilespmem:$0xC080] =	vst v63  }
0x64: {  	_ =	swait.ge [sflag:s0], $0xC000  }
0x65: {  	p0 =	sne.s32 s6, $0x1;
	[sflag:s0] =	ssyncset.done $0x0  }
.Ltmp0:
0x66: {  	s1 =	rddreg [dreg:$0x5];
	[sflag:s0] =	ssyncadd.s32 $0xFFFF4000;
	(pc) =	sbr.rel @p0 .LBB2_1-.Ltmp0, $4  }
0x67: {  	[hbm4b:s1+s3] =	stream.linear.scatter [tilespmem:s8], [sflag:$0x2], $0xC000, $0x38;
	[tilespmem:$0xC080] =	vst v63  }
0x68: {  	_ =	swait.ge [sflag:s7], $0xC000  }
0x69: {  	[sflag:s7] =	ssyncset.done $0x0  }
0x6a: {  	s6 =	sadd.s32 $0xFFFFFFFF, s6;
	[sflag:s7] =	ssyncadd.s32 $0xFFFF4000  }
0x6b: {  	_ =	sfence.sel $0x180000  }
0x6c: {  	[bflag:$0x0] =	sbarrier.arrive $0xFFFF  }
0x6d: {  	_ =	strace $0x90000047  }
0x6e: {  	s0 =	stileid.u32;
	[bflag:$0x2] =	sbarrier.arrive $0xFFFF  }
0x6f: {  	p0 =	sne.s32 s0, $0x0;
	s0 =	rddreg [dreg:$0x3]  }
0x70: {  	s0 =	sadd.s32 @!p0 $0x100000, s0  }
0x71: {  	[sflag:s0] =	ssyncadd.tile.s32 @!p0 $0x1;
	_ =	shalt  }
.Lfunc_end2:
_tile_overlayer_lowered:
.L_overlay_start_2:
0x72: {  	(tag) =	ssettag $0x2  }
0x73: {  	s0 =	rddreg [dreg:$0x0];
	s2 =	stileid.u32  }
0x74: {  	s1 =	rddreg [dreg:$0x1];
	p0 =	sne.s32 s2, $0x0  }
0x75: {  	s3 =	rddreg [dreg:$0x2];
	[bflag:$0x3] =	sbarrier.arrive $0xFFFF;
	s2 =	simm.s32 @!p0 $0x1C02  }
0x76: {  	[timem:s3], [sflag:s2] =	dma.local @!p0 [hbm:s0], s1  }
0x77: {  	s0 =	simm.s32 @!p0 $0x2  }
0x78: {  	_ =	swait.ge @!p0 [sflag:s0], s1  }
0x79: {  	s1 =	ssub.s32 @!p0 $0x0, s1;
	[sflag:s0] =	ssyncset.done @!p0 $0x0  }
0x7a: {  	[sflag:s0] =	ssyncadd.s32 @!p0 s1  }
0x7b: {  	[bflag:$0x3] =	sbarrier.arrive $0xFFFF  }
0x7c: {  	_ =	shalt  }

</sc_bundles>
